<compile_context>
chip_gen: v7x
topology: tpu7x:2x2x1
jax: 0.10.2.dev20260603
libtpu: 0.0.44.dev20260713+nightly
codegen_flags: <defaults>
</compile_context>

<pallas_src>
import functools

import jax
import jax.numpy as jnp
from jax import lax
from jax.experimental import pallas as pl
from jax.experimental.pallas import tpu as pltpu
from jax.experimental.pallas import tpu_sc as plsc

_SEQ = 2048
_D = 2048

_info = plsc.get_sparse_core_info()
_NC = _info.num_cores
_NS = _info.num_subcores
_NW = _NC * _NS
_BPW = _SEQ // _NW
_CHUNK = 16
_NBUF = 3
_NCHUNK = _BPW // _CHUNK

_mesh = plsc.VectorSubcoreMesh(core_axis_name="c", subcore_axis_name="s")


@functools.partial(
    pl.kernel,
    mesh=_mesh,
    out_type=jax.ShapeDtypeStruct((_SEQ, _D), jnp.float32),
    scratch_types=[
        pltpu.VMEM((_BPW,), jnp.int32),
        pltpu.VMEM((_CHUNK, _D), jnp.float32),
        pltpu.VMEM((_CHUNK, _D), jnp.float32),
        pltpu.VMEM((_CHUNK, _D), jnp.float32),
    ] + [pltpu.SemaphoreType.DMA] * 6,
)
def _gather_rows(table_hbm, idx_hbm, out_hbm, idx_v, buf0, buf1, buf2,
                 *sems):
    wid = lax.axis_index("s") * _NC + lax.axis_index("c")
    base = wid * _BPW

    bufs = (buf0, buf1, buf2)
    gsems = sems[:_NBUF]
    wsems = sems[_NBUF:]

    gathers = [None] * _NCHUNK
    writes = [None] * _NCHUNK
    pltpu.sync_copy(idx_hbm.at[pl.ds(base, _CHUNK)],
                    idx_v.at[pl.ds(0, _CHUNK)])
    gathers[0] = pltpu.async_copy(
        table_hbm.at[idx_v.at[pl.ds(0, _CHUNK)]], bufs[0], gsems[0])
    pltpu.sync_copy(idx_hbm.at[pl.ds(base + _CHUNK, _BPW - _CHUNK)],
                    idx_v.at[pl.ds(_CHUNK, _BPW - _CHUNK)])
    for c in range(1, min(_NBUF, _NCHUNK)):
        gathers[c] = pltpu.async_copy(
            table_hbm.at[idx_v.at[pl.ds(c * _CHUNK, _CHUNK)]],
            bufs[c % _NBUF], gsems[c % _NBUF])
    for c in range(_NCHUNK):
        b = c % _NBUF
        gathers[c].wait()
        writes[c] = pltpu.async_copy(
            bufs[b], out_hbm.at[pl.ds(base + c * _CHUNK, _CHUNK)], wsems[b])
        nc = c + _NBUF
        if nc < _NCHUNK:
            writes[nc - _NBUF].wait()
            gathers[nc] = pltpu.async_copy(
                table_hbm.at[idx_v.at[pl.ds(nc * _CHUNK, _CHUNK)]],
                bufs[nc % _NBUF], gsems[nc % _NBUF])
    for c in range(max(_NCHUNK - _NBUF, 0), _NCHUNK):
        writes[c].wait()


def kernel(tokens, table):
    idx = tokens.reshape(-1).astype(jnp.int32)
    return _gather_rows(table, idx)

# --- scband reference (transcript-rebuilt; emitter-appended) ---
"""Pipeline reference for scband-prompt-prefix-19937238188607 (READ-ONLY COPY).

The authoritative reference and input builder live on the scoring server;
editing this copy changes nothing except your own understanding.
"""

import jax, jax.numpy as jnp
import numpy as np

VOCAB = 100000
EMBED_DIM = 2048
SEQ_LEN = 2048

def setup_inputs(seed: int = 0) -> dict:
    key = jax.random.key(seed)
    k1, k2 = jax.random.split(key)
    # tokenizer output: [1, seq_len] token ids, values in [0, vocab)
    tokens = jax.random.randint(k1, (1, SEQ_LEN), 0, VOCAB, dtype=jnp.int64 if jax.config.jax_enable_x64 else jnp.int32)
    # frozen LLM input embedding table [vocab, d_model]
    table = jax.random.normal(k2, (VOCAB, EMBED_DIM), dtype=jnp.float32) * 0.02
    return {"tokens": tokens, "table": table}

def reference(tokens, table):
    # emb = self.text_embed(tokens) -> [1, S, d]; then [0] -> [S, d]; squeeze(0) is a no-op for S>1
    emb = jnp.take(table, tokens, axis=0)  # [1, S, d] gather (embedding lookup)
    emb = emb[0]                           # [S, d]
    emb = jnp.squeeze(emb, axis=0) if emb.shape[0] == 1 else emb
    return emb

if __name__ == "__main__":
    import jax
    _d = setup_inputs()
    print(jax.jit(kernel)(*tuple(_d.values())))

</pallas_src>

<mosaic_0001>
#map = affine_map<(d0, d1) -> (0, 0)>
#map1 = affine_map<(d0, d1) -> (0)>
module attributes {stable_mosaic.version = 14 : i64} {
  func.func @_gather_rows(%arg0: i32, %arg1: i32, %arg2: memref<100000x2048xf32, #tpu.memory_space<hbm>>, %arg3: memref<2048xi32, #tpu.memory_space<hbm>>, %arg4: memref<2048x2048xf32, #tpu.memory_space<hbm>>, %arg5: memref<64xi32, #tpu.memory_space<vmem>>, %arg6: memref<16x2048xf32, #tpu.memory_space<vmem>>, %arg7: memref<16x2048xf32, #tpu.memory_space<vmem>>, %arg8: memref<16x2048xf32, #tpu.memory_space<vmem>>, %arg9: memref<!tpu.dma_semaphore, #tpu.memory_space<semaphore_mem>>, %arg10: memref<!tpu.dma_semaphore, #tpu.memory_space<semaphore_mem>>, %arg11: memref<!tpu.dma_semaphore, #tpu.memory_space<semaphore_mem>>, %arg12: memref<!tpu.dma_semaphore, #tpu.memory_space<semaphore_mem>>, %arg13: memref<!tpu.dma_semaphore, #tpu.memory_space<semaphore_mem>>, %arg14: memref<!tpu.dma_semaphore, #tpu.memory_space<semaphore_mem>>) attributes {dimension_semantics = [#tpu.dimension_semantics<core_parallel>, #tpu.dimension_semantics<subcore_parallel>], iteration_bounds = array<i64: 2, 16>, scalar_prefetch = 0 : i64, scratch_operands = 10 : i64, tpu.core_type = #tpu.core_type<sc_vector_subcore>, window_params = [{transform_indices = #map}, {transform_indices = #map1}, {transform_indices = #map}]} {
    %mul3A = arith.constant 2 : i32
    %mul3A_0 = arith.muli %arg1, %mul3A : i32
    %add3A = arith.addi %mul3A_0, %arg0 : i32
    %mul3A_1 = arith.constant 64 : i32
    %mul3A_2 = arith.muli %add3A, %mul3A_1 : i32
    "tpu.region"() ({
      %run_scoped3A = tpu.sem_alloc : memref<!tpu.dma_semaphore, #tpu.memory_space<semaphore_mem>>
      %dma_start3A_83 = arith.constant 0 : i32
      %dma_start3A_84 = tpu.memref_slice %arg5[%dma_start3A_83] : memref<64xi32, #tpu.memory_space<vmem>> -> memref<16xi32, #tpu.memory_space<vmem>>
      %dma_start3A_85 = tpu.memref_slice %arg3[%mul3A_2] : memref<2048xi32, #tpu.memory_space<hbm>> -> memref<16xi32, #tpu.memory_space<hbm>>
      %dma_start3A_86 = arith.constant 0 : i32
      %dma_start3A_87 = tpu.memref_slice %arg5[%dma_start3A_86] : memref<64xi32, #tpu.memory_space<vmem>> -> memref<16xi32, #tpu.memory_space<vmem>>
      %dma_start3A_88 = tpu.memref_slice %arg3[%mul3A_2] : memref<2048xi32, #tpu.memory_space<hbm>> -> memref<16xi32, #tpu.memory_space<hbm>>
      tpu.enqueue_dma source(%dma_start3A_88 : memref<16xi32, #tpu.memory_space<hbm>>) target(%dma_start3A_87 : memref<16xi32, #tpu.memory_space<vmem>>) target_semaphore(%run_scoped3A : memref<!tpu.dma_semaphore, #tpu.memory_space<semaphore_mem>>)
      %dma_wait3A_89 = arith.constant 0 : i32
      %dma_wait3A_90 = tpu.memref_slice %arg5[%dma_wait3A_89] : memref<64xi32, #tpu.memory_space<vmem>> -> memref<16xi32, #tpu.memory_space<vmem>>
      %dma_wait3A_91 = tpu.memref_slice %arg3[%mul3A_2] : memref<2048xi32, #tpu.memory_space<hbm>> -> memref<16xi32, #tpu.memory_space<hbm>>
      %dma_wait3A_92 = arith.constant 0 : i32
      %dma_wait3A_93 = tpu.memref_slice %arg5[%dma_wait3A_92] : memref<64xi32, #tpu.memory_space<vmem>> -> memref<16xi32, #tpu.memory_space<vmem>>
      %dma_wait3A_94 = tpu.memref_slice %arg3[%mul3A_2] : memref<2048xi32, #tpu.memory_space<hbm>> -> memref<16xi32, #tpu.memory_space<hbm>>
      tpu.wait_dma2 semaphore(%run_scoped3A : memref<!tpu.dma_semaphore, #tpu.memory_space<semaphore_mem>>) src(%dma_wait3A_94 : memref<16xi32, #tpu.memory_space<hbm>>) dst(%dma_wait3A_93 : memref<16xi32, #tpu.memory_space<vmem>>)
      tpu.yield
    }) : () -> ()
    %dma_start3A = arith.constant 0 : i32
    %dma_start3A_3 = tpu.memref_slice %arg5[%dma_start3A] : memref<64xi32, #tpu.memory_space<vmem>> -> memref<16xi32, #tpu.memory_space<vmem>>
    %dma_start3A_4 = arith.constant 0 : i32
    %dma_start3A_5 = arith.constant 0 : i32
    %dma_start3A_6 = tpu.memref_slice %arg2[%dma_start3A_4, %dma_start3A_5] : memref<100000x2048xf32, #tpu.memory_space<hbm>> -> memref<100000x2048xf32, #tpu.memory_space<hbm>>
    tpu.enqueue_indirect_dma source(%dma_start3A_6 : memref<100000x2048xf32, #tpu.memory_space<hbm>>) target(%arg6 : memref<16x2048xf32, #tpu.memory_space<vmem>>) offsets(%dma_start3A_3 : memref<16xi32, #tpu.memory_space<vmem>>) semaphore(%arg9 : memref<!tpu.dma_semaphore, #tpu.memory_space<semaphore_mem>>)
    %add3A_7 = arith.constant 16 : i32
    %add3A_8 = arith.addi %mul3A_2, %add3A_7 : i32
    "tpu.region"() ({
      %run_scoped3A = tpu.sem_alloc : memref<!tpu.dma_semaphore, #tpu.memory_space<semaphore_mem>>
      %dma_start3A_83 = arith.constant 16 : i32
      %dma_start3A_84 = tpu.memref_slice %arg5[%dma_start3A_83] : memref<64xi32, #tpu.memory_space<vmem>> -> memref<48xi32, #tpu.memory_space<vmem>>
      %dma_start3A_85 = tpu.memref_slice %arg3[%add3A_8] : memref<2048xi32, #tpu.memory_space<hbm>> -> memref<48xi32, #tpu.memory_space<hbm>>
      %dma_start3A_86 = arith.constant 16 : i32
      %dma_start3A_87 = tpu.memref_slice %arg5[%dma_start3A_86] : memref<64xi32, #tpu.memory_space<vmem>> -> memref<48xi32, #tpu.memory_space<vmem>>
      %dma_start3A_88 = tpu.memref_slice %arg3[%add3A_8] : memref<2048xi32, #tpu.memory_space<hbm>> -> memref<48xi32, #tpu.memory_space<hbm>>
      tpu.enqueue_dma source(%dma_start3A_88 : memref<48xi32, #tpu.memory_space<hbm>>) target(%dma_start3A_87 : memref<48xi32, #tpu.memory_space<vmem>>) target_semaphore(%run_scoped3A : memref<!tpu.dma_semaphore, #tpu.memory_space<semaphore_mem>>)
      %dma_wait3A_89 = arith.constant 16 : i32
      %dma_wait3A_90 = tpu.memref_slice %arg5[%dma_wait3A_89] : memref<64xi32, #tpu.memory_space<vmem>> -> memref<48xi32, #tpu.memory_space<vmem>>
      %dma_wait3A_91 = tpu.memref_slice %arg3[%add3A_8] : memref<2048xi32, #tpu.memory_space<hbm>> -> memref<48xi32, #tpu.memory_space<hbm>>
      %dma_wait3A_92 = arith.constant 16 : i32
      %dma_wait3A_93 = tpu.memref_slice %arg5[%dma_wait3A_92] : memref<64xi32, #tpu.memory_space<vmem>> -> memref<48xi32, #tpu.memory_space<vmem>>
      %dma_wait3A_94 = tpu.memref_slice %arg3[%add3A_8] : memref<2048xi32, #tpu.memory_space<hbm>> -> memref<48xi32, #tpu.memory_space<hbm>>
      tpu.wait_dma2 semaphore(%run_scoped3A : memref<!tpu.dma_semaphore, #tpu.memory_space<semaphore_mem>>) src(%dma_wait3A_94 : memref<48xi32, #tpu.memory_space<hbm>>) dst(%dma_wait3A_93 : memref<48xi32, #tpu.memory_space<vmem>>)
      tpu.yield
    }) : () -> ()
    %dma_start3A_9 = arith.constant 16 : i32
    %dma_start3A_10 = tpu.memref_slice %arg5[%dma_start3A_9] : memref<64xi32, #tpu.memory_space<vmem>> -> memref<16xi32, #tpu.memory_space<vmem>>
    %dma_start3A_11 = arith.constant 0 : i32
    %dma_start3A_12 = arith.constant 0 : i32
    %dma_start3A_13 = tpu.memref_slice %arg2[%dma_start3A_11, %dma_start3A_12] : memref<100000x2048xf32, #tpu.memory_space<hbm>> -> memref<100000x2048xf32, #tpu.memory_space<hbm>>
    tpu.enqueue_indirect_dma source(%dma_start3A_13 : memref<100000x2048xf32, #tpu.memory_space<hbm>>) target(%arg7 : memref<16x2048xf32, #tpu.memory_space<vmem>>) offsets(%dma_start3A_10 : memref<16xi32, #tpu.memory_space<vmem>>) semaphore(%arg10 : memref<!tpu.dma_semaphore, #tpu.memory_space<semaphore_mem>>)
    %dma_start3A_14 = arith.constant 32 : i32
    %dma_start3A_15 = tpu.memref_slice %arg5[%dma_start3A_14] : memref<64xi32, #tpu.memory_space<vmem>> -> memref<16xi32, #tpu.memory_space<vmem>>
    %dma_start3A_16 = arith.constant 0 : i32
    %dma_start3A_17 = arith.constant 0 : i32
    %dma_start3A_18 = tpu.memref_slice %arg2[%dma_start3A_16, %dma_start3A_17] : memref<100000x2048xf32, #tpu.memory_space<hbm>> -> memref<100000x2048xf32, #tpu.memory_space<hbm>>
    tpu.enqueue_indirect_dma source(%dma_start3A_18 : memref<100000x2048xf32, #tpu.memory_space<hbm>>) target(%arg8 : memref<16x2048xf32, #tpu.memory_space<vmem>>) offsets(%dma_start3A_15 : memref<16xi32, #tpu.memory_space<vmem>>) semaphore(%arg11 : memref<!tpu.dma_semaphore, #tpu.memory_space<semaphore_mem>>)
    %dma_wait3A = arith.constant 0 : i32
    %dma_wait3A_19 = tpu.memref_slice %arg5[%dma_wait3A] : memref<64xi32, #tpu.memory_space<vmem>> -> memref<16xi32, #tpu.memory_space<vmem>>
    %dma_wait3A_20 = arith.constant 0 : i32
    %dma_wait3A_21 = arith.constant 0 : i32
    %dma_wait3A_22 = tpu.memref_slice %arg2[%dma_wait3A_20, %dma_wait3A_21] : memref<100000x2048xf32, #tpu.memory_space<hbm>> -> memref<100000x2048xf32, #tpu.memory_space<hbm>>
    tpu.wait_indirect_dma semaphore(%arg9 : memref<!tpu.dma_semaphore, #tpu.memory_space<semaphore_mem>>) src(%dma_wait3A_22 : memref<100000x2048xf32, #tpu.memory_space<hbm>>) dst(%arg6 : memref<16x2048xf32, #tpu.memory_space<vmem>>)
    %add3A_23 = arith.constant 0 : i32
    %add3A_24 = arith.addi %mul3A_2, %add3A_23 : i32
    %dma_start3A_25 = arith.constant 0 : i32
    %dma_start3A_26 = tpu.memref_slice %arg4[%add3A_24, %dma_start3A_25] : memref<2048x2048xf32, #tpu.memory_space<hbm>> -> memref<16x2048xf32, #tpu.memory_space<hbm>>
    %dma_start3A_27 = arith.constant 0 : i32
    %dma_start3A_28 = tpu.memref_slice %arg4[%add3A_24, %dma_start3A_27] : memref<2048x2048xf32, #tpu.memory_space<hbm>> -> memref<16x2048xf32, #tpu.memory_space<hbm>>
    tpu.enqueue_dma source(%arg6 : memref<16x2048xf32, #tpu.memory_space<vmem>>) target(%dma_start3A_28 : memref<16x2048xf32, #tpu.memory_space<hbm>>) target_semaphore(%arg12 : memref<!tpu.dma_semaphore, #tpu.memory_space<semaphore_mem>>)
    %dma_wait3A_29 = arith.constant 0 : i32
    %dma_wait3A_30 = tpu.memref_slice %arg4[%add3A_24, %dma_wait3A_29] : memref<2048x2048xf32, #tpu.memory_space<hbm>> -> memref<16x2048xf32, #tpu.memory_space<hbm>>
    %dma_wait3A_31 = arith.constant 0 : i32
    %dma_wait3A_32 = tpu.memref_slice %arg4[%add3A_24, %dma_wait3A_31] : memref<2048x2048xf32, #tpu.memory_space<hbm>> -> memref<16x2048xf32, #tpu.memory_space<hbm>>
    tpu.wait_dma2 semaphore(%arg12 : memref<!tpu.dma_semaphore, #tpu.memory_space<semaphore_mem>>) src(%arg6 : memref<16x2048xf32, #tpu.memory_space<vmem>>) dst(%dma_wait3A_32 : memref<16x2048xf32, #tpu.memory_space<hbm>>)
    %dma_start3A_33 = arith.constant 48 : i32
    %dma_start3A_34 = tpu.memref_slice %arg5[%dma_start3A_33] : memref<64xi32, #tpu.memory_space<vmem>> -> memref<16xi32, #tpu.memory_space<vmem>>
    %dma_start3A_35 = arith.constant 0 : i32
    %dma_start3A_36 = arith.constant 0 : i32
    %dma_start3A_37 = tpu.memref_slice %arg2[%dma_start3A_35, %dma_start3A_36] : memref<100000x2048xf32, #tpu.memory_space<hbm>> -> memref<100000x2048xf32, #tpu.memory_space<hbm>>
    tpu.enqueue_indirect_dma source(%dma_start3A_37 : memref<100000x2048xf32, #tpu.memory_space<hbm>>) target(%arg6 : memref<16x2048xf32, #tpu.memory_space<vmem>>) offsets(%dma_start3A_34 : memref<16xi32, #tpu.memory_space<vmem>>) semaphore(%arg9 : memref<!tpu.dma_semaphore, #tpu.memory_space<semaphore_mem>>)
    %dma_wait3A_38 = arith.constant 16 : i32
    %dma_wait3A_39 = tpu.memref_slice %arg5[%dma_wait3A_38] : memref<64xi32, #tpu.memory_space<vmem>> -> memref<16xi32, #tpu.memory_space<vmem>>
    %dma_wait3A_40 = arith.constant 0 : i32
    %dma_wait3A_41 = arith.constant 0 : i32
    %dma_wait3A_42 = tpu.memref_slice %arg2[%dma_wait3A_40, %dma_wait3A_41] : memref<100000x2048xf32, #tpu.memory_space<hbm>> -> memref<100000x2048xf32, #tpu.memory_space<hbm>>
    tpu.wait_indirect_dma semaphore(%arg10 : memref<!tpu.dma_semaphore, #tpu.memory_space<semaphore_mem>>) src(%dma_wait3A_42 : memref<100000x2048xf32, #tpu.memory_space<hbm>>) dst(%arg7 : memref<16x2048xf32, #tpu.memory_space<vmem>>)
    %add3A_43 = arith.constant 16 : i32
    %add3A_44 = arith.addi %mul3A_2, %add3A_43 : i32
    %dma_start3A_45 = arith.constant 0 : i32
    %dma_start3A_46 = tpu.memref_slice %arg4[%add3A_44, %dma_start3A_45] : memref<2048x2048xf32, #tpu.memory_space<hbm>> -> memref<16x2048xf32, #tpu.memory_space<hbm>>
    %dma_start3A_47 = arith.constant 0 : i32
    %dma_start3A_48 = tpu.memref_slice %arg4[%add3A_44, %dma_start3A_47] : memref<2048x2048xf32, #tpu.memory_space<hbm>> -> memref<16x2048xf32, #tpu.memory_space<hbm>>
    tpu.enqueue_dma source(%arg7 : memref<16x2048xf32, #tpu.memory_space<vmem>>) target(%dma_start3A_48 : memref<16x2048xf32, #tpu.memory_space<hbm>>) target_semaphore(%arg13 : memref<!tpu.dma_semaphore, #tpu.memory_space<semaphore_mem>>)
    %dma_wait3A_49 = arith.constant 32 : i32
    %dma_wait3A_50 = tpu.memref_slice %arg5[%dma_wait3A_49] : memref<64xi32, #tpu.memory_space<vmem>> -> memref<16xi32, #tpu.memory_space<vmem>>
    %dma_wait3A_51 = arith.constant 0 : i32
    %dma_wait3A_52 = arith.constant 0 : i32
    %dma_wait3A_53 = tpu.memref_slice %arg2[%dma_wait3A_51, %dma_wait3A_52] : memref<100000x2048xf32, #tpu.memory_space<hbm>> -> memref<100000x2048xf32, #tpu.memory_space<hbm>>
    tpu.wait_indirect_dma semaphore(%arg11 : memref<!tpu.dma_semaphore, #tpu.memory_space<semaphore_mem>>) src(%dma_wait3A_53 : memref<100000x2048xf32, #tpu.memory_space<hbm>>) dst(%arg8 : memref<16x2048xf32, #tpu.memory_space<vmem>>)
    %add3A_54 = arith.constant 32 : i32
    %add3A_55 = arith.addi %mul3A_2, %add3A_54 : i32
    %dma_start3A_56 = arith.constant 0 : i32
    %dma_start3A_57 = tpu.memref_slice %arg4[%add3A_55, %dma_start3A_56] : memref<2048x2048xf32, #tpu.memory_space<hbm>> -> memref<16x2048xf32, #tpu.memory_space<hbm>>
    %dma_start3A_58 = arith.constant 0 : i32
    %dma_start3A_59 = tpu.memref_slice %arg4[%add3A_55, %dma_start3A_58] : memref<2048x2048xf32, #tpu.memory_space<hbm>> -> memref<16x2048xf32, #tpu.memory_space<hbm>>
    tpu.enqueue_dma source(%arg8 : memref<16x2048xf32, #tpu.memory_space<vmem>>) target(%dma_start3A_59 : memref<16x2048xf32, #tpu.memory_space<hbm>>) target_semaphore(%arg14 : memref<!tpu.dma_semaphore, #tpu.memory_space<semaphore_mem>>)
    %dma_wait3A_60 = arith.constant 48 : i32
    %dma_wait3A_61 = tpu.memref_slice %arg5[%dma_wait3A_60] : memref<64xi32, #tpu.memory_space<vmem>> -> memref<16xi32, #tpu.memory_space<vmem>>
    %dma_wait3A_62 = arith.constant 0 : i32
    %dma_wait3A_63 = arith.constant 0 : i32
    %dma_wait3A_64 = tpu.memref_slice %arg2[%dma_wait3A_62, %dma_wait3A_63] : memref<100000x2048xf32, #tpu.memory_space<hbm>> -> memref<100000x2048xf32, #tpu.memory_space<hbm>>
    tpu.wait_indirect_dma semaphore(%arg9 : memref<!tpu.dma_semaphore, #tpu.memory_space<semaphore_mem>>) src(%dma_wait3A_64 : memref<100000x2048xf32, #tpu.memory_space<hbm>>) dst(%arg6 : memref<16x2048xf32, #tpu.memory_space<vmem>>)
    %add3A_65 = arith.constant 48 : i32
    %add3A_66 = arith.addi %mul3A_2, %add3A_65 : i32
    %dma_start3A_67 = arith.constant 0 : i32
    %dma_start3A_68 = tpu.memref_slice %arg4[%add3A_66, %dma_start3A_67] : memref<2048x2048xf32, #tpu.memory_space<hbm>> -> memref<16x2048xf32, #tpu.memory_space<hbm>>
    %dma_start3A_69 = arith.constant 0 : i32
    %dma_start3A_70 = tpu.memref_slice %arg4[%add3A_66, %dma_start3A_69] : memref<2048x2048xf32, #tpu.memory_space<hbm>> -> memref<16x2048xf32, #tpu.memory_space<hbm>>
    tpu.enqueue_dma source(%arg6 : memref<16x2048xf32, #tpu.memory_space<vmem>>) target(%dma_start3A_70 : memref<16x2048xf32, #tpu.memory_space<hbm>>) target_semaphore(%arg12 : memref<!tpu.dma_semaphore, #tpu.memory_space<semaphore_mem>>)
    %dma_wait3A_71 = arith.constant 0 : i32
    %dma_wait3A_72 = tpu.memref_slice %arg4[%add3A_44, %dma_wait3A_71] : memref<2048x2048xf32, #tpu.memory_space<hbm>> -> memref<16x2048xf32, #tpu.memory_space<hbm>>
    %dma_wait3A_73 = arith.constant 0 : i32
    %dma_wait3A_74 = tpu.memref_slice %arg4[%add3A_44, %dma_wait3A_73] : memref<2048x2048xf32, #tpu.memory_space<hbm>> -> memref<16x2048xf32, #tpu.memory_space<hbm>>
    tpu.wait_dma2 semaphore(%arg13 : memref<!tpu.dma_semaphore, #tpu.memory_space<semaphore_mem>>) src(%arg7 : memref<16x2048xf32, #tpu.memory_space<vmem>>) dst(%dma_wait3A_74 : memref<16x2048xf32, #tpu.memory_space<hbm>>)
    %dma_wait3A_75 = arith.constant 0 : i32
    %dma_wait3A_76 = tpu.memref_slice %arg4[%add3A_55, %dma_wait3A_75] : memref<2048x2048xf32, #tpu.memory_space<hbm>> -> memref<16x2048xf32, #tpu.memory_space<hbm>>
    %dma_wait3A_77 = arith.constant 0 : i32
    %dma_wait3A_78 = tpu.memref_slice %arg4[%add3A_55, %dma_wait3A_77] : memref<2048x2048xf32, #tpu.memory_space<hbm>> -> memref<16x2048xf32, #tpu.memory_space<hbm>>
    tpu.wait_dma2 semaphore(%arg14 : memref<!tpu.dma_semaphore, #tpu.memory_space<semaphore_mem>>) src(%arg8 : memref<16x2048xf32, #tpu.memory_space<vmem>>) dst(%dma_wait3A_78 : memref<16x2048xf32, #tpu.memory_space<hbm>>)
    %dma_wait3A_79 = arith.constant 0 : i32
    %dma_wait3A_80 = tpu.memref_slice %arg4[%add3A_66, %dma_wait3A_79] : memref<2048x2048xf32, #tpu.memory_space<hbm>> -> memref<16x2048xf32, #tpu.memory_space<hbm>>
    %dma_wait3A_81 = arith.constant 0 : i32
    %dma_wait3A_82 = tpu.memref_slice %arg4[%add3A_66, %dma_wait3A_81] : memref<2048x2048xf32, #tpu.memory_space<hbm>> -> memref<16x2048xf32, #tpu.memory_space<hbm>>
    tpu.wait_dma2 semaphore(%arg12 : memref<!tpu.dma_semaphore, #tpu.memory_space<semaphore_mem>>) src(%arg6 : memref<16x2048xf32, #tpu.memory_space<vmem>>) dst(%dma_wait3A_82 : memref<16x2048xf32, #tpu.memory_space<hbm>>)
    return
  }
}

</mosaic_0001>

<sc_bundles>
// kernel: kernel.3.cloned.1.call-start
scs
__scs_entry_jumppad:
0x0: {  	(pc) =	sbr.rel $0x88, $3  }
0x1: {  	(tag) =	ssettag $0x0;
	lr =	simm.s32 $0x1  }
0x2: {  	[smem:$0x3F9F] =	sst lr;
	_ =	strace $0xD0000000  }
0x3: {  	_ = 	snop  }
0x4: {  	_ = 	snop  }
0x5: {  	_ = 	snop  }
0x6: {  	_ = 	snop  }
0x7: {  	_ = 	snop  }
__scs_overlays_trampoline_lowered:
0x8: {  	[smem:$0x3FAE] =	sst s0  }
0x9: {  	[smem:$0x3FAF] =	sst s1  }
0xa: {  	[smem:$0x3FB0] =	sst s2  }
0xb: {  	[smem:$0x3FB1] =	sst s3  }
0xc: {  	[smem:$0x3FB2] =	sst s4  }
0xd: {  	[smem:$0x3FB3] =	sst s5  }
0xe: {  	[smem:$0x3FB4] =	sst s6  }
0xf: {  	[smem:$0x3FB5] =	sst s7  }
0x10: {  	[smem:$0x3FB6] =	sst s8  }
0x11: {  	[smem:$0x3FB7] =	sst s9;
	s0 =	simm.s32 @!p0 $0x0  }
0x12: {  	s1 =	sld [smem:$0x3F9D];
	s0 =	simm.s32 @p0 $0x1  }
0x13: {  	[smem:$0x3FB8] =	sst s0;
	s0 =	simm.s32 @!p1 $0x0  }
0x14: {  	s2 =	sld [smem:$0x3F9C];
	s0 =	simm.s32 @p1 $0x1  }
0x15: {  	[smem:$0x3FB9] =	sst s0;
	s0 =	simm.s32 @!p2 $0x0  }
0x16: {  	s3 =	sld [smem:$0x3FDB];
	s0 =	simm.s32 @p2 $0x1  }
0x17: {  	s4 =	simm.s32 $0x1BF5;
	[smem:$0x3FBB] =	sst s0  }
0x18: {  	s0 =	sld [smem:$0x3F9E];
	_ =	swait.ge [sflag:s4], $0x0  }
0x19: {  	s7 =	sld [smem:$0x3F9F]  }
0x1a: {  	s8 =	sadd.s32 $0xFFFFE003, lr  }
0x1b: {  	s9 =	sadd.s32 $0xFFFFFEF7, lr;
	s5 =	simm.s32 $0xFFFFFFFF;
	p2 =	slt.u32 s8, $0xFFFFF086  }
0x1c: {  	p1 =	slt.u32 s9, $0xF7A;
	s5 =	simm.s32 @!p2 $0x0  }
0x1d: {  	s5 =	simm.s32 @p1 $0x1;
	p0 =	seq.s32 s7, s2  }
0x1e: {  	s7 =	smul.u32 @!p0 $0xF7A, s2;
	p2 =	seq.s32 @!p0 s5, $0x0  }
0x1f: {  	s9 =	smul.u32 $0xF7A, s1;
	s8 =	simm.s32 @!p0 $0x1BF5;
	p2 =	por !p2, p0  }
0x20: {  	[sflag:s8] =	ssyncset.s32 @!p0 $0xFFFFF086;
	s6 =	sadd.s32 @!p0 s3, s7;
	s7 =	simm.s32 @!p0 $0x108  }
0x21: {  	s3 =	sadd.s32 s3, s9;
	s6 =	sadd.s32 @!p0 $0x88, s6;
	s7 =	simm.s32 @p2 $0x1082  }
0x22: {  	[simem:s7], [sflag:s8] =	dma.local @!p0 [hbm:s6], $0xF7A  }
0x23: {  	s9 =	sor.u32 $0xD0000000, s2;
	s6 =	simm.s32 $0x108;
	_ =	swait.ge @!p0 [sflag:s8], $0x0  }
0x24: {  	s3 =	sadd.s32 $0x88, s3;
	s6 =	simm.s32 @!p1 $0x1082;
	[sflag:s4] =	ssyncset.s32 $0xFFFFF086  }
0x25: {  	[simem:s6], [sflag:s4] =	dma.local [hbm:s3], $0xF7A  }
0x26: {  	[smem:$0x3F9F] =	sst s1;
	(tag) =	ssettag s2;
	_ =	strace s9  }
0x27: {  	s1 =	sld [smem:$0x3FAF]  }
0x28: {  	s2 =	sld [smem:$0x3FB0]  }
0x29: {  	s4 =	sld [smem:$0x3FB2]  }
0x2a: {  	p0 =	seq.s32 s5, $0x0;
	s5 =	sld [smem:$0x3FB3]  }
0x2b: {  	s6 =	sld [smem:$0x3FB4]  }
0x2c: {  	s7 =	sld [smem:$0x3FB5]  }
0x2d: {  	s3 =	simm.s32 $0x108;
	s8 =	sld [smem:$0x3FB6]  }
0x2e: {  	s3 =	simm.s32 @!p0 $0x1082;
	s9 =	sld [smem:$0x3FB7]  }
0x2f: {  	lr =	sadd.s32 s0, s3;
	s0 =	sld [smem:$0x3FAE]  }
0x30: {  	s3 =	sld [smem:$0x3FB1]  }
0x31: {  	[smem:$0x3FBA] =	sst s10  }
0x32: {  	s10 =	sld [smem:$0x3FB8];
	_ =	sdelay $0x3  }
0x33: {  	p0 =	seq.s32 s10, $0x1;
	s10 =	sld [smem:$0x3FBA];
	_ =	sdelay $0x3  }
0x34: {  	[smem:$0x3FBA] =	sst s10  }
0x35: {  	s10 =	sld [smem:$0x3FB9];
	_ =	sdelay $0x3  }
0x36: {  	p1 =	seq.s32 s10, $0x1;
	s10 =	sld [smem:$0x3FBA];
	_ =	sdelay $0x3  }
0x37: {  	[smem:$0x3FBA] =	sst s10  }
0x38: {  	s10 =	sld [smem:$0x3FBB]  }
0x39: {  	_ = 	snop;
	(pc) =	sbr.ind lr, $3  }
0x3a: {  	_ = 	snop  }
0x3b: {  	_ = 	snop  }
0x3c: {  	p2 =	seq.s32 s10, $0x1;
	s10 =	sld [smem:$0x3FBA]  }
0x3d: {  	_ =	shalt  }
0x3e: {  	_ =	shalt  }
0x3f: {  	_ =	shalt  }
0x40: {  	_ =	shalt  }
0x41: {  	_ =	shalt  }
0x42: {  	_ =	shalt  }
0x43: {  	_ =	shalt  }
0x44: {  	_ =	shalt  }
0x45: {  	_ =	shalt  }
0x46: {  	_ =	shalt  }
0x47: {  	_ =	shalt  }
0x48: {  	_ =	shalt  }
0x49: {  	_ =	shalt  }
0x4a: {  	_ =	shalt  }
0x4b: {  	_ =	shalt  }
0x4c: {  	_ =	shalt  }
0x4d: {  	_ =	shalt  }
0x4e: {  	_ =	shalt  }
0x4f: {  	_ =	shalt  }
0x50: {  	_ =	shalt  }
0x51: {  	_ =	shalt  }
0x52: {  	_ =	shalt  }
0x53: {  	_ =	shalt  }
0x54: {  	_ =	shalt  }
0x55: {  	_ =	shalt  }
0x56: {  	_ =	shalt  }
0x57: {  	_ =	shalt  }
0x58: {  	_ =	shalt  }
0x59: {  	_ =	shalt  }
0x5a: {  	_ =	shalt  }
0x5b: {  	_ =	shalt  }
0x5c: {  	_ =	shalt  }
0x5d: {  	_ =	shalt  }
0x5e: {  	_ =	shalt  }
0x5f: {  	_ =	shalt  }
0x60: {  	_ =	shalt  }
0x61: {  	_ =	shalt  }
0x62: {  	_ =	shalt  }
0x63: {  	_ =	shalt  }
0x64: {  	_ =	shalt  }
0x65: {  	_ =	shalt  }
0x66: {  	_ =	shalt  }
0x67: {  	_ =	shalt  }
0x68: {  	_ =	shalt  }
0x69: {  	_ =	shalt  }
0x6a: {  	_ =	shalt  }
0x6b: {  	_ =	shalt  }
0x6c: {  	_ =	shalt  }
0x6d: {  	_ =	shalt  }
0x6e: {  	_ =	shalt  }
0x6f: {  	_ =	shalt  }
0x70: {  	_ =	shalt  }
0x71: {  	_ =	shalt  }
0x72: {  	_ =	shalt  }
0x73: {  	_ =	shalt  }
0x74: {  	_ =	shalt  }
0x75: {  	_ =	shalt  }
0x76: {  	_ =	shalt  }
0x77: {  	_ =	shalt  }
0x78: {  	_ =	shalt  }
0x79: {  	_ =	shalt  }
0x7a: {  	_ =	shalt  }
0x7b: {  	_ =	shalt  }
0x7c: {  	_ =	shalt  }
0x7d: {  	_ =	shalt  }
0x7e: {  	_ =	shalt  }
0x7f: {  	_ =	shalt  }
0x80: {  	_ =	shalt  }
0x81: {  	_ =	shalt  }
0x82: {  	_ =	shalt  }
0x83: {  	_ =	shalt  }
0x84: {  	_ =	shalt  }
0x85: {  	_ =	shalt  }
0x86: {  	_ =	shalt  }
0x87: {  	_ =	shalt  }
.Lfunc_end0:
.L_simem_size_0:
called_computation_lowered:
.L_overlay_start_0:
0x88: {  	s2 =	sld [smem:$0x3FD9]  }
0x89: {  	s3 =	sld [smem:$0x3FFE];
	_ =	sdelay $0x1  }
0x8a: {  	s1 =	srdreg.scid  }
0x8b: {  	s0 =	sand.u32 $0x1, s1  }
0x8c: {  	s18 =	sshll.u32 s0, $0xA;
	s2 =	sadd.s32 s3, s2  }
0x8d: {  	s2 =	sadd.s32 s2, s18  }
0x8e: {  	[smem:$0x3FC6] =	sst s2  }
0x8f: {  	_ = 	snop  }
0x90: {  	s2 =	sld [smem:$0x3FC9]  }
0x91: {  	s19 =	sld [smem:$0x3FC8]  }
0x92: {  	s4 =	sld [smem:$0x3FD0];
	(tm) =	ssettm $0x1  }
0x93: {  	s5 =	sld [smem:$0x3FFB];
	_ =	sdelay $0x3  }
0x94: {  	_ =	strace s5  }
0x95: {  	s5 =	sld [smem:$0x3FFC];
	_ =	sdelay $0x3  }
0x96: {  	_ =	strace s5  }
0x97: {  	s5 =	sld [smem:$0x3FFD];
	_ =	sdelay $0x3  }
0x98: {  	_ =	strace s5  }
0x99: {  	_ =	strace $0x8FFFFFFF  }
0x9a: {  	s20 =	sld [smem:$0x3FDB];
	_ =	sdelay $0x1  }
0x9b: {  	s6 =	simm.s32 $_scs_section_size  }
0x9c: {  	s7 =	simm.s32 $_size__tile_overlayer_lowered;
	s8 =	simm.s32 $_tile_overlayer_lowered  }
0x9d: {  	s23 =	simm.s32 $0x1BFF;
	s22 =	sshll.u32 s8, $0x1;
	s5 =	sadd.s32 s6, s20  }
0x9e: {  	s9 =	simm.s32 $0x0;
	s21 =	sshll.u32 s7, $0x1;
	s7 =	sadd.s32 s22, s5  }
0x9f: {  	[timem:s9], [sflag:s23] =	dma.local [hbm:s7], s21  }
0xa0: {  	_ =	swait.ge [sflag:s23], s21  }
0xa1: {  	s6 =	ssub.s32 $0x0, s21;
	[sflag:s23] =	ssyncset.done $0x0  }
0xa2: {  	[sflag:s23] =	ssyncadd.s32 s6;
	_ =	sdelay $0x1  }
0xa3: {  	s24 =	simm.s32 $0x1B8B  }
0xa4: {  	_ =	swait.ge [sflag:s24], $0x1  }
0xa5: {  	[sflag:s24] =	ssyncset.done $0x0  }
0xa6: {  	s25 =	simm.s32 $0x1B8E;
	[sflag:s24] =	ssyncadd.s32 $0xFFFFFFFF  }
0xa7: {  	s26 =	simm.s32 $execute0_lowered;
	[smem:$0x3FD2] =	sst s25  }
0xa8: {  	s6 =	sshll.u32 s26, $0x1;
	_ =	strace $0x80000046;
	[dreg:$0x1] =	wrdreg $0xFFFFFFFF  }
0xa9: {  	s28 =	simm.s32 $_size_execute0_lowered;
	s5 =	sadd.s32 s5, s6;
	[dreg:$0x0] =	wrdreg $0x0  }
0xaa: {  	s6 =	sshll.u32 s28, $0x1;
	[dreg:$0x2] =	wrdreg s5  }
0xab: {  	[dreg:$0x3] =	wrdreg s6  }
0xac: {  	[dreg:$0x4] =	wrdreg $0xC0  }
0xad: {  	_ =	task [dreg:s9], $0x5FFFF  }
0xae: {  	[dreg:$0x1] =	wrdreg $0xFFFFFFFF  }
0xaf: {  	[dreg:$0x0] =	wrdreg $0x60  }
0xb0: {  	[dreg:$0x2] =	wrdreg s19  }
0xb1: {  	[dreg:$0x3] =	wrdreg s2  }
0xb2: {  	[dreg:$0x4] =	wrdreg s4  }
0xb3: {  	[dreg:$0x5] =	wrdreg $0x9  }
0xb4: {  	_ =	task.clear_ibuf [dreg:s9], $0x6FFFF;
	_ =	strace $0x90000046  }
0xb5: {  	s29 =	simm.s32 $0x9;
	_ =	strace $0x80000048  }
0xb6: {  	_ =	swait.ge [sflag:s29], $0x1  }
0xb7: {  	[sflag:s29] =	ssyncadd.s32 $0xFFFFFFFF  }
0xb8: {  	_ =	strace $0x90000048  }
0xb9: {  	_ =	sfence  }
0xba: {  	s30 =	sld [smem:$0x0];
	_ =	sdelay $0x2  }
0xbb: {  	s31 =	sshll.u32 s1, $0xD;
	s1 =	sshrl.u32 s1, $0x2  }
0xbc: {  	s3 =	sand.u32 $0x4000, s31;
	s1 =	sadd.s32 s1, s30  }
0xbd: {  	s0 =	sor.u32 s3, s0;
	s1 =	sshll.u32 s1, $0x11  }
0xbe: {  	s0 =	sor.u32 s1, s0  }
0xbf: {  	s0 =	sadd.s32 $0x8F2B, s0  }
0xc0: {  	[sflag:s0] =	ssyncadd.remote.s32 $0x1  }
0xc1: {  	_ =	sfence.sel $0xFFFF  }
0xc2: {  	[dreg:$0x0] =	wrdreg $0xFFFFFFFF;
	(pc) =	sbr.abs _section_cstart, $3  }
0xc3: {  	[dreg:$0x1] =	wrdreg $0xFFFFFFFF  }
0xc4: {  	_ =	task.clear_ibuf [dreg:s9], $0x2FFFF;
	_ =	strace $0x9FFFFFFF  }
0xc5: {  	(tm) =	ssettm $0x7FFFFFFF  }
tec
execute0_lowered:
.L_overlay_start_1:
0x0: {  	(tag) =	ssettag $0x1  }
0x1: {  	s1 =	rddreg [dreg:$0x0]  }
0x2: {  	s2 =	rddreg [dreg:$0x1];
	s3 =	stileid.u32  }
0x3: {  	s4 =	rddreg [dreg:$0x2];
	s5 =	sshll.u32 s3, $0x7;
	s3 =	simm.s32 $0x0  }
0x4: {  	s16 =	simm.s32 $0x10;
	[smem:$0x7FF] =	sst s3  }
0x5: {  	s17 =	simm.s32 $0x8880;
	_ =	strace $0x80000047;
	[dreg:$0x9] =	wrdreg s16  }
0x6: {  	s18 =	simm.s32 $0x9080;
	[dreg:$0xa] =	wrdreg s17  }
0x7: {  	s19 =	simm.s32 $0x9880;
	[dreg:$0xb] =	wrdreg s18  }
0x8: {  	s20 =	simm.s32 $0xA080;
	[dreg:$0xc] =	wrdreg s19  }
0x9: {  	s21 =	simm.s32 $0xA880;
	[dreg:$0xd] =	wrdreg s20  }
0xa: {  	s0 =	srdreg.scid;
	s22 =	simm.s32 $0xB080;
	[dreg:$0xe] =	wrdreg s21  }
0xb: {  	s23 =	simm.s32 $0xB880;
	s24 =	simm.s32 $0xC080;
	[dreg:$0xf] =	wrdreg s22  }
0xc: {  	s25 =	simm.s32 $0xC880;
	s8 =	simm.s32 $0xE880;
	[dreg:$0x10] =	wrdreg s23  }
0xd: {  	s9 =	simm.s32 $0xF080;
	s10 =	simm.s32 $0xF880;
	[dreg:$0x11] =	wrdreg s24  }
0xe: {  	s28 =	simm.s32 $0x3880;
	s29 =	simm.s32 $0x4080;
	[dreg:$0x12] =	wrdreg s25  }
0xf: {  	s30 =	simm.s32 $0x4880;
	s0 =	sand.u32 $0x1, s0;
	[dreg:$0x16] =	wrdreg s8  }
0x10: {  	s31 =	simm.s32 $0x5080;
	s6 =	sshll.u32 s0, $0x6;
	[dreg:$0x17] =	wrdreg s9  }
0x11: {  	s0 =	ssub.s32 $0x2, s0;
	[dreg:$0x18] =	wrdreg s10;
	s16 =	simm.s32 $0x12880  }
0x12: {  	s5 =	sor.u32 s6, s5;
	s17 =	simm.s32 $0x13080;
	[dreg:$0x1d] =	wrdreg s16  }
0x13: {  	s26 =	sshrl.u32 s0, $0x1;
	s18 =	simm.s32 $0x13880;
	[dreg:$0x1e] =	wrdreg s17  }
0x14: {  	s8 =	sadd.s32 $0x400, s1;
	s19 =	simm.s32 $0x14080;
	[dreg:$0x1f] =	wrdreg s18  }
0x15: {  	s9 =	sadd.s32 $0x500, s1;
	s20 =	simm.s32 $0x14880;
	[smem:$0x7F6] =	sst s19  }
0x16: {  	s10 =	sadd.s32 $0x600, s1;
	s21 =	simm.s32 $0x15080;
	[smem:$0x7F7] =	sst s20  }
0x17: {  	s22 =	simm.s32 $0x15880;
	s23 =	simm.s32 $0x16080;
	[smem:$0x7F8] =	sst s21  }
0x18: {  	s24 =	simm.s32 $0x16880;
	s25 =	simm.s32 $0x17080;
	[smem:$0x7F9] =	sst s22  }
0x19: {  	s6 =	sshrl.u32 s5, $0x3;
	s7 =	sor.u32 $0x10, s5;
	[smem:$0x7FA] =	sst s23  }
0x1a: {  	s5 =	sshll.u32 s5, $0x8;
	s0 =	ssub.s32 s0, s26;
	[smem:$0x7FB] =	sst s24  }
0x1b: {  	[smem:$0x7FC] =	sst s25;
	s26 =	simm.s32 $0x17880;
	s21 =	simm.s32 $0x880  }
0x1c: {  	s22 =	simm.s32 $0x1080;
	s23 =	simm.s32 $0x1880;
	s24 =	simm.s32 $0x2080  }
0x1d: {  	s25 =	simm.s32 $0x2880;
	s6 =	sadd.s32 s2, s6;
	[smem:$0x7FD] =	sst s26  }
0x1e: {  	s11 =	sshrl.u32 s7, $0x3;
	s5 =	sadd.s32 s4, s5;
	[dreg:$0x4] =	wrdreg s6  }
0x1f: {  	s12 =	sshll.u32 s7, $0x8;
	s7 =	simm.s32 $0xE080;
	[smem:$0x7F5] =	sst s5  }
0x20: {  	s17 =	simm.s32 $0x7080;
	s2 =	sadd.s32 s2, s11;
	[dreg:$0x15] =	wrdreg s7  }
0x21: {  	s18 =	simm.s32 $0x7880;
	s13 =	sadd.s32 s4, s12;
	[dreg:$0x5] =	wrdreg s2  }
0x22: {  	s26 =	simm.s32 $0x3080;
	s14 =	sadd.s32 $0x2000, s5;
	[dreg:$0x6] =	wrdreg s13  }
0x23: {  	s15 =	sadd.s32 $0x3000, s5;
	s5 =	simm.s32 $0xD080;
	[dreg:$0x7] =	wrdreg s14  }
0x24: {  	s6 =	simm.s32 $0xD880;
	s7 =	sadd.s32 $0x300, s1;
	[dreg:$0x8] =	wrdreg s15  }
0x25: {  	s11 =	simm.s32 $0x10880;
	s12 =	simm.s32 $0x11080;
	[dreg:$0x13] =	wrdreg s5  }
0x26: {  	s4 =	simm.s32 $0x4;
	s5 =	sadd.s32 $0x100, s1;
	[dreg:$0x14] =	wrdreg s6  }
0x27: {  	s6 =	sadd.s32 $0x200, s1;
	[dreg:$0x19] =	wrdreg s11;
	s11 =	sadd.s32 $0x700, s1  }
0x28: {  	v2 =	vlaneseq.u32;
	[dreg:$0x1a] =	wrdreg s12;
	s13 =	simm.s32 $0x11880;
	s12 =	smax.u32 s0, $0x1  }
0x29: {  	vm0 =	vmmov $0xffff;
	v1 =	vshrl.u32 v2, $0x3;
	s14 =	simm.s32 $0x12080;
	s15 =	simm.s32 $0x7;
	[dreg:$0x1b] =	wrdreg s13  }
0x2a: {  	v0 =	vand.u32 $0x7, v2;
	v2 =	vor.u32 $0x8, v2;
	v1 =	vmul.u32 $0x8, v1;
	s0 =	simm.s32 $0x1;
	[dreg:$0x1c] =	wrdreg s14;
	s13 =	simm.s32 $0x80  }
.LBB2_1:
0x2b: {  	s19 =	rddreg [dreg:$0x4]  }
0x2c: {  	[tilespmem:s3], [sflag:$0x7] =	stream.linear.gather [hbm4b:s19+s3], $0x10, $0x38;
	[tilespmem:$0x18080] =	vst v63  }
0x2d: {  	_ =	swait.ge [sflag:s15], $0x10  }
0x2e: {  	[sflag:s15] =	ssyncset.done $0x0  }
0x2f: {  	[sflag:s15] =	ssyncadd.s32 $0xFFFFFFF0  }
0x30: {  	v3 =	vld [tilespmem:$0x0];
	_ =	sdelay $0x4  }
0x31: {  	v4 =	vshll.u32 v3, $0x4  }
0x32: {  	v3 =	vand.u32 $0x7, v3;
	v4 =	vand.u32 $0xFFFFFF80, v4  }
0x33: {  	v3 =	vor.u32 v3, v4  }
0x34: {  	v4 =	vperm.xlane v3, v0;
	_ =	sdelay $0x1  }
0x35: {  	v4 =	vadd.s32 v1, v4;
	_ =	sdelay $0x4  }
0x36: {  	[tilespmem:s13], [sflag:$0x1] =	stream.indirect_vreg.gather [hbm4b:s1+s3], $0x80, v4, vm0, $0xb8;
	[tilespmem:$0x18080] =	vst v63  }
0x37: {  	_ = 	snop  }
0x38: {  	[tilespmem:s21], [sflag:$0x1] =	stream.indirect_vreg.gather [hbm4b:s5+s3], $0x80, v4, vm0, $0xb8;
	[tilespmem:$0x18080] =	vst v63  }
0x39: {  	_ = 	snop  }
0x3a: {  	[tilespmem:s22], [sflag:$0x1] =	stream.indirect_vreg.gather [hbm4b:s6+s3], $0x80, v4, vm0, $0xb8;
	[tilespmem:$0x18080] =	vst v63  }
0x3b: {  	_ = 	snop  }
0x3c: {  	[tilespmem:s23], [sflag:$0x1] =	stream.indirect_vreg.gather [hbm4b:s7+s3], $0x80, v4, vm0, $0xb8;
	[tilespmem:$0x18080] =	vst v63  }
0x3d: {  	_ = 	snop  }
0x3e: {  	[tilespmem:s24], [sflag:$0x1] =	stream.indirect_vreg.gather [hbm4b:s8+s3], $0x80, v4, vm0, $0xb8;
	[tilespmem:$0x18080] =	vst v63  }
0x3f: {  	v3 =	vperm.xlane v3, v2  }
0x40: {  	[tilespmem:s25], [sflag:$0x1] =	stream.indirect_vreg.gather [hbm4b:s9+s3], $0x80, v4, vm0, $0xb8;
	[tilespmem:$0x18080] =	vst v63  }
0x41: {  	v3 =	vadd.s32 v1, v3  }
0x42: {  	[tilespmem:s26], [sflag:$0x1] =	stream.indirect_vreg.gather [hbm4b:s10+s3], $0x80, v4, vm0, $0xb8;
	[tilespmem:$0x18080] =	vst v63  }
0x43: {  	_ = 	snop  }
0x44: {  	[tilespmem:s28], [sflag:$0x1] =	stream.indirect_vreg.gather [hbm4b:s11+s3], $0x80, v4, vm0, $0xb8;
	[tilespmem:$0x18080] =	vst v63  }
0x45: {  	_ = 	snop  }
0x46: {  	[tilespmem:s29], [sflag:$0x1] =	stream.indirect_vreg.gather [hbm4b:s1+s3], $0x80, v3, vm0, $0xb8;
	[tilespmem:$0x18080] =	vst v63  }
0x47: {  	_ = 	snop  }
0x48: {  	[tilespmem:s30], [sflag:$0x1] =	stream.indirect_vreg.gather [hbm4b:s5+s3], $0x80, v3, vm0, $0xb8;
	[tilespmem:$0x18080] =	vst v63  }
0x49: {  	_ = 	snop  }
0x4a: {  	[tilespmem:s31], [sflag:$0x1] =	stream.indirect_vreg.gather [hbm4b:s6+s3], $0x80, v3, vm0, $0xb8;
	[tilespmem:$0x18080] =	vst v63  }
0x4b: {  	s2 =	simm.s32 $0x5880  }
0x4c: {  	[tilespmem:s2], [sflag:$0x1] =	stream.indirect_vreg.gather [hbm4b:s7+s3], $0x80, v3, vm0, $0xb8;
	[tilespmem:$0x18080] =	vst v63  }
0x4d: {  	s20 =	simm.s32 $0x6080  }
0x4e: {  	[tilespmem:s20], [sflag:$0x1] =	stream.indirect_vreg.gather [hbm4b:s8+s3], $0x80, v3, vm0, $0xb8;
	[tilespmem:$0x18080] =	vst v63  }
0x4f: {  	s16 =	simm.s32 $0x6880  }
0x50: {  	[tilespmem:s16], [sflag:$0x1] =	stream.indirect_vreg.gather [hbm4b:s9+s3], $0x80, v3, vm0, $0xb8;
	[tilespmem:$0x18080] =	vst v63  }
0x51: {  	_ = 	snop  }
0x52: {  	[tilespmem:s17], [sflag:$0x1] =	stream.indirect_vreg.gather [hbm4b:s10+s3], $0x80, v3, vm0, $0xb8;
	[tilespmem:$0x18080] =	vst v63  }
0x53: {  	s14 =	rddreg [dreg:$0x5]  }
0x54: {  	[tilespmem:s18], [sflag:$0x1] =	stream.indirect_vreg.gather [hbm4b:s11+s3], $0x80, v3, vm0, $0xb8;
	[tilespmem:$0x18080] =	vst v63  }
0x55: {  	s20 =	rddreg [dreg:$0x9]  }
0x56: {  	[tilespmem:s20], [sflag:$0x7] =	stream.linear.gather [hbm4b:s14+s3], $0x30, $0x38;
	[tilespmem:$0x18080] =	vst v63  }
0x57: {  	_ =	swait.ge [sflag:s15], $0x30  }
0x58: {  	[sflag:s15] =	ssyncset.done $0x0  }
0x59: {  	[sflag:s15] =	ssyncadd.s32 $0xFFFFFFD0  }
0x5a: {  	v3 =	vld [tilespmem:$0x10];
	_ =	sdelay $0x4  }
0x5b: {  	v61 =	vshll.u32 v3, $0x4  }
0x5c: {  	v3 =	vand.u32 $0x7, v3;
	v4 =	vand.u32 $0xFFFFFF80, v61  }
0x5d: {  	v3 =	vor.u32 v3, v4  }
0x5e: {  	v4 =	vperm.xlane v3, v0;
	_ =	sdelay $0x1  }
0x5f: {  	v4 =	vadd.s32 v1, v4;
	_ =	sdelay $0x3  }
0x60: {  	s14 =	simm.s32 $0x8080  }
0x61: {  	[tilespmem:s14], [sflag:$0x2] =	stream.indirect_vreg.gather [hbm4b:s1+s3], $0x80, v4, vm0, $0xb8;
	[tilespmem:$0x18080] =	vst v63  }
0x62: {  	s2 =	rddreg [dreg:$0xa]  }
0x63: {  	[tilespmem:s2], [sflag:$0x2] =	stream.indirect_vreg.gather [hbm4b:s5+s3], $0x80, v4, vm0, $0xb8;
	[tilespmem:$0x18080] =	vst v63  }
0x64: {  	s20 =	rddreg [dreg:$0xb]  }
0x65: {  	[tilespmem:s20], [sflag:$0x2] =	stream.indirect_vreg.gather [hbm4b:s6+s3], $0x80, v4, vm0, $0xb8;
	[tilespmem:$0x18080] =	vst v63  }
0x66: {  	s2 =	rddreg [dreg:$0xc]  }
0x67: {  	[tilespmem:s2], [sflag:$0x2] =	stream.indirect_vreg.gather [hbm4b:s7+s3], $0x80, v4, vm0, $0xb8;
	[tilespmem:$0x18080] =	vst v63  }
0x68: {  	s20 =	rddreg [dreg:$0xd]  }
0x69: {  	[tilespmem:s20], [sflag:$0x2] =	stream.indirect_vreg.gather [hbm4b:s8+s3], $0x80, v4, vm0, $0xb8;
	[tilespmem:$0x18080] =	vst v63  }
0x6a: {  	v3 =	vperm.xlane v3, v2;
	s2 =	rddreg [dreg:$0xe]  }
0x6b: {  	[tilespmem:s2], [sflag:$0x2] =	stream.indirect_vreg.gather [hbm4b:s9+s3], $0x80, v4, vm0, $0xb8;
	[tilespmem:$0x18080] =	vst v63  }
0x6c: {  	v3 =	vadd.s32 v1, v3;
	s20 =	rddreg [dreg:$0xf]  }
0x6d: {  	[tilespmem:s20], [sflag:$0x2] =	stream.indirect_vreg.gather [hbm4b:s10+s3], $0x80, v4, vm0, $0xb8;
	[tilespmem:$0x18080] =	vst v63  }
0x6e: {  	s2 =	rddreg [dreg:$0x10]  }
0x6f: {  	[tilespmem:s2], [sflag:$0x2] =	stream.indirect_vreg.gather [hbm4b:s11+s3], $0x80, v4, vm0, $0xb8;
	[tilespmem:$0x18080] =	vst v63  }
0x70: {  	s20 =	rddreg [dreg:$0x11]  }
0x71: {  	[tilespmem:s20], [sflag:$0x2] =	stream.indirect_vreg.gather [hbm4b:s1+s3], $0x80, v3, vm0, $0xb8;
	[tilespmem:$0x18080] =	vst v63  }
0x72: {  	s2 =	rddreg [dreg:$0x12]  }
0x73: {  	[tilespmem:s2], [sflag:$0x2] =	stream.indirect_vreg.gather [hbm4b:s5+s3], $0x80, v3, vm0, $0xb8;
	[tilespmem:$0x18080] =	vst v63  }
0x74: {  	s20 =	rddreg [dreg:$0x13]  }
0x75: {  	[tilespmem:s20], [sflag:$0x2] =	stream.indirect_vreg.gather [hbm4b:s6+s3], $0x80, v3, vm0, $0xb8;
	[tilespmem:$0x18080] =	vst v63  }
0x76: {  	s2 =	rddreg [dreg:$0x14]  }
0x77: {  	[tilespmem:s2], [sflag:$0x2] =	stream.indirect_vreg.gather [hbm4b:s7+s3], $0x80, v3, vm0, $0xb8;
	[tilespmem:$0x18080] =	vst v63  }
0x78: {  	s20 =	rddreg [dreg:$0x15]  }
0x79: {  	[tilespmem:s20], [sflag:$0x2] =	stream.indirect_vreg.gather [hbm4b:s8+s3], $0x80, v3, vm0, $0xb8;
	[tilespmem:$0x18080] =	vst v63  }
0x7a: {  	s2 =	rddreg [dreg:$0x16]  }
0x7b: {  	[tilespmem:s2], [sflag:$0x2] =	stream.indirect_vreg.gather [hbm4b:s9+s3], $0x80, v3, vm0, $0xb8;
	[tilespmem:$0x18080] =	vst v63  }
0x7c: {  	s20 =	rddreg [dreg:$0x17]  }
0x7d: {  	[tilespmem:s20], [sflag:$0x2] =	stream.indirect_vreg.gather [hbm4b:s10+s3], $0x80, v3, vm0, $0xb8;
	[tilespmem:$0x18080] =	vst v63  }
0x7e: {  	s2 =	rddreg [dreg:$0x18]  }
0x7f: {  	[tilespmem:s2], [sflag:$0x2] =	stream.indirect_vreg.gather [hbm4b:s11+s3], $0x80, v3, vm0, $0xb8;
	[tilespmem:$0x18080] =	vst v63  }
0x80: {  	v3 =	vld [tilespmem:$0x20];
	_ =	sdelay $0x4  }
0x81: {  	v62 =	vshll.u32 v3, $0x4  }
0x82: {  	v3 =	vand.u32 $0x7, v3;
	v4 =	vand.u32 $0xFFFFFF80, v62  }
0x83: {  	v3 =	vor.u32 v3, v4  }
0x84: {  	v4 =	vperm.xlane v3, v0;
	_ =	sdelay $0x1  }
0x85: {  	v4 =	vadd.s32 v1, v4;
	_ =	sdelay $0x3  }
0x86: {  	s19 =	rddreg [dreg:$0x19];
	s2 =	simm.s32 $0x10080  }
0x87: {  	[tilespmem:s2], [sflag:$0x3] =	stream.indirect_vreg.gather [hbm4b:s1+s3], $0x80, v4, vm0, $0xb8;
	[tilespmem:$0x18080] =	vst v63  }
0x88: {  	s20 =	rddreg [dreg:$0x1a]  }
0x89: {  	[tilespmem:s19], [sflag:$0x3] =	stream.indirect_vreg.gather [hbm4b:s5+s3], $0x80, v4, vm0, $0xb8;
	[tilespmem:$0x18080] =	vst v63  }
0x8a: {  	s19 =	rddreg [dreg:$0x1b]  }
0x8b: {  	[tilespmem:s20], [sflag:$0x3] =	stream.indirect_vreg.gather [hbm4b:s6+s3], $0x80, v4, vm0, $0xb8;
	[tilespmem:$0x18080] =	vst v63  }
0x8c: {  	s20 =	rddreg [dreg:$0x1c]  }
0x8d: {  	[tilespmem:s19], [sflag:$0x3] =	stream.indirect_vreg.gather [hbm4b:s7+s3], $0x80, v4, vm0, $0xb8;
	[tilespmem:$0x18080] =	vst v63  }
0x8e: {  	s19 =	rddreg [dreg:$0x1d]  }
0x8f: {  	[tilespmem:s20], [sflag:$0x3] =	stream.indirect_vreg.gather [hbm4b:s8+s3], $0x80, v4, vm0, $0xb8;
	[tilespmem:$0x18080] =	vst v63  }
0x90: {  	v3 =	vperm.xlane v3, v2;
	s20 =	rddreg [dreg:$0x1e]  }
0x91: {  	[tilespmem:s19], [sflag:$0x3] =	stream.indirect_vreg.gather [hbm4b:s9+s3], $0x80, v4, vm0, $0xb8;
	[tilespmem:$0x18080] =	vst v63  }
0x92: {  	v3 =	vadd.s32 v1, v3;
	s19 =	rddreg [dreg:$0x1f]  }
0x93: {  	[tilespmem:s20], [sflag:$0x3] =	stream.indirect_vreg.gather [hbm4b:s10+s3], $0x80, v4, vm0, $0xb8;
	[tilespmem:$0x18080] =	vst v63  }
0x94: {  	s20 =	sld [smem:$0x7F6]  }
0x95: {  	[tilespmem:s19], [sflag:$0x3] =	stream.indirect_vreg.gather [hbm4b:s11+s3], $0x80, v4, vm0, $0xb8;
	[tilespmem:$0x18080] =	vst v63  }
0x96: {  	s19 =	sld [smem:$0x7F7]  }
0x97: {  	[tilespmem:s20], [sflag:$0x3] =	stream.indirect_vreg.gather [hbm4b:s1+s3], $0x80, v3, vm0, $0xb8;
	[tilespmem:$0x18080] =	vst v63  }
0x98: {  	s20 =	sld [smem:$0x7F8]  }
0x99: {  	[tilespmem:s19], [sflag:$0x3] =	stream.indirect_vreg.gather [hbm4b:s5+s3], $0x80, v3, vm0, $0xb8;
	[tilespmem:$0x18080] =	vst v63  }
0x9a: {  	s19 =	sld [smem:$0x7F9]  }
0x9b: {  	[tilespmem:s20], [sflag:$0x3] =	stream.indirect_vreg.gather [hbm4b:s6+s3], $0x80, v3, vm0, $0xb8;
	[tilespmem:$0x18080] =	vst v63  }
0x9c: {  	s20 =	sld [smem:$0x7FA]  }
0x9d: {  	[tilespmem:s19], [sflag:$0x3] =	stream.indirect_vreg.gather [hbm4b:s7+s3], $0x80, v3, vm0, $0xb8;
	[tilespmem:$0x18080] =	vst v63  }
0x9e: {  	s19 =	sld [smem:$0x7FB]  }
0x9f: {  	[tilespmem:s20], [sflag:$0x3] =	stream.indirect_vreg.gather [hbm4b:s8+s3], $0x80, v3, vm0, $0xb8;
	[tilespmem:$0x18080] =	vst v63  }
0xa0: {  	s20 =	sld [smem:$0x7FC]  }
0xa1: {  	[tilespmem:s19], [sflag:$0x3] =	stream.indirect_vreg.gather [hbm4b:s9+s3], $0x80, v3, vm0, $0xb8;
	[tilespmem:$0x18080] =	vst v63  }
0xa2: {  	s19 =	sld [smem:$0x7FD]  }
0xa3: {  	[tilespmem:s20], [sflag:$0x3] =	stream.indirect_vreg.gather [hbm4b:s10+s3], $0x80, v3, vm0, $0xb8;
	[tilespmem:$0x18080] =	vst v63  }
0xa4: {  	_ = 	snop  }
0xa5: {  	[tilespmem:s19], [sflag:$0x3] =	stream.indirect_vreg.gather [hbm4b:s11+s3], $0x80, v3, vm0, $0xb8;
	[tilespmem:$0x18080] =	vst v63  }
0xa6: {  	_ =	swait.ge [sflag:s0], $0x8000  }
0xa7: {  	s20 =	sld [smem:$0x7F5]  }
0xa8: {  	[sflag:s0] =	ssyncset.done $0x0  }
0xa9: {  	[sflag:s0] =	ssyncadd.s32 $0xFFFF8000  }
0xaa: {  	[hbm4b:s20+s3] =	stream.linear.scatter [tilespmem:s13], [sflag:$0x4], $0x8000, $0x38;
	[tilespmem:$0x18080] =	vst v63  }
0xab: {  	_ =	swait.ge [sflag:s4], $0x8000  }
0xac: {  	[sflag:s4] =	ssyncset.done $0x0  }
0xad: {  	[sflag:s4] =	ssyncadd.s32 $0xFFFF8000  }
0xae: {  	v3 =	vld [tilespmem:$0x30];
	_ =	sdelay $0x4  }
0xaf: {  	v63 =	vshll.u32 v3, $0x4  }
0xb0: {  	v3 =	vand.u32 $0x7, v3;
	v4 =	vand.u32 $0xFFFFFF80, v63  }
0xb1: {  	v3 =	vor.u32 v3, v4  }
0xb2: {  	v4 =	vperm.xlane v3, v0;
	_ =	sdelay $0x1  }
0xb3: {  	v4 =	vadd.s32 v1, v4;
	_ =	sdelay $0x4  }
0xb4: {  	[tilespmem:s13], [sflag:$0x1] =	stream.indirect_vreg.gather [hbm4b:s1+s3], $0x80, v4, vm0, $0xb8;
	[tilespmem:$0x18080] =	vst v63  }
0xb5: {  	_ = 	snop  }
0xb6: {  	[tilespmem:s21], [sflag:$0x1] =	stream.indirect_vreg.gather [hbm4b:s5+s3], $0x80, v4, vm0, $0xb8;
	[tilespmem:$0x18080] =	vst v63  }
0xb7: {  	_ = 	snop  }
0xb8: {  	[tilespmem:s22], [sflag:$0x1] =	stream.indirect_vreg.gather [hbm4b:s6+s3], $0x80, v4, vm0, $0xb8;
	[tilespmem:$0x18080] =	vst v63  }
0xb9: {  	_ = 	snop  }
0xba: {  	[tilespmem:s23], [sflag:$0x1] =	stream.indirect_vreg.gather [hbm4b:s7+s3], $0x80, v4, vm0, $0xb8;
	[tilespmem:$0x18080] =	vst v63  }
0xbb: {  	_ = 	snop  }
0xbc: {  	[tilespmem:s24], [sflag:$0x1] =	stream.indirect_vreg.gather [hbm4b:s8+s3], $0x80, v4, vm0, $0xb8;
	[tilespmem:$0x18080] =	vst v63  }
0xbd: {  	v3 =	vperm.xlane v3, v2  }
0xbe: {  	[tilespmem:s25], [sflag:$0x1] =	stream.indirect_vreg.gather [hbm4b:s9+s3], $0x80, v4, vm0, $0xb8;
	[tilespmem:$0x18080] =	vst v63  }
0xbf: {  	v3 =	vadd.s32 v1, v3  }
0xc0: {  	[tilespmem:s26], [sflag:$0x1] =	stream.indirect_vreg.gather [hbm4b:s10+s3], $0x80, v4, vm0, $0xb8;
	[tilespmem:$0x18080] =	vst v63  }
0xc1: {  	_ = 	snop  }
0xc2: {  	[tilespmem:s28], [sflag:$0x1] =	stream.indirect_vreg.gather [hbm4b:s11+s3], $0x80, v4, vm0, $0xb8;
	[tilespmem:$0x18080] =	vst v63  }
0xc3: {  	_ = 	snop  }
0xc4: {  	[tilespmem:s29], [sflag:$0x1] =	stream.indirect_vreg.gather [hbm4b:s1+s3], $0x80, v3, vm0, $0xb8;
	[tilespmem:$0x18080] =	vst v63  }
0xc5: {  	_ = 	snop  }
0xc6: {  	[tilespmem:s30], [sflag:$0x1] =	stream.indirect_vreg.gather [hbm4b:s5+s3], $0x80, v3, vm0, $0xb8;
	[tilespmem:$0x18080] =	vst v63  }
0xc7: {  	_ = 	snop  }
0xc8: {  	[tilespmem:s31], [sflag:$0x1] =	stream.indirect_vreg.gather [hbm4b:s6+s3], $0x80, v3, vm0, $0xb8;
	[tilespmem:$0x18080] =	vst v63  }
0xc9: {  	s20 =	simm.s32 $0x5880  }
0xca: {  	[tilespmem:s20], [sflag:$0x1] =	stream.indirect_vreg.gather [hbm4b:s7+s3], $0x80, v3, vm0, $0xb8;
	[tilespmem:$0x18080] =	vst v63  }
0xcb: {  	s20 =	simm.s32 $0x6080  }
0xcc: {  	[tilespmem:s20], [sflag:$0x1] =	stream.indirect_vreg.gather [hbm4b:s8+s3], $0x80, v3, vm0, $0xb8;
	[tilespmem:$0x18080] =	vst v63  }
0xcd: {  	_ = 	snop  }
0xce: {  	[tilespmem:s16], [sflag:$0x1] =	stream.indirect_vreg.gather [hbm4b:s9+s3], $0x80, v3, vm0, $0xb8;
	[tilespmem:$0x18080] =	vst v63  }
0xcf: {  	_ = 	snop  }
0xd0: {  	[tilespmem:s17], [sflag:$0x1] =	stream.indirect_vreg.gather [hbm4b:s10+s3], $0x80, v3, vm0, $0xb8;
	[tilespmem:$0x18080] =	vst v63  }
0xd1: {  	s19 =	simm.s32 $0x2  }
0xd2: {  	[tilespmem:s18], [sflag:$0x1] =	stream.indirect_vreg.gather [hbm4b:s11+s3], $0x80, v3, vm0, $0xb8;
	[tilespmem:$0x18080] =	vst v63  }
0xd3: {  	_ =	swait.ge [sflag:s19], $0x8000  }
0xd4: {  	[sflag:s19] =	ssyncset.done $0x0  }
0xd5: {  	s20 =	rddreg [dreg:$0x6];
	[sflag:s19] =	ssyncadd.s32 $0xFFFF8000;
	s19 =	simm.s32 $0x3  }
0xd6: {  	[hbm4b:s20+s3] =	stream.linear.scatter [tilespmem:s14], [sflag:$0x5], $0x8000, $0x38;
	[tilespmem:$0x18080] =	vst v63  }
0xd7: {  	_ =	swait.ge [sflag:s19], $0x8000  }
0xd8: {  	[sflag:s19] =	ssyncset.done $0x0  }
0xd9: {  	s20 =	rddreg [dreg:$0x7];
	[sflag:s19] =	ssyncadd.s32 $0xFFFF8000  }
0xda: {  	[hbm4b:s20+s3] =	stream.linear.scatter [tilespmem:s2], [sflag:$0x6], $0x8000, $0x38;
	[tilespmem:$0x18080] =	vst v63  }
0xdb: {  	_ =	swait.ge [sflag:s0], $0x8000  }
0xdc: {  	[sflag:s0] =	ssyncset.done $0x0  }
0xdd: {  	s19 =	simm.s32 $0x5;
	s16 =	rddreg [dreg:$0x8];
	[sflag:s0] =	ssyncadd.s32 $0xFFFF8000  }
0xde: {  	[hbm4b:s16+s3] =	stream.linear.scatter [tilespmem:s13], [sflag:$0x4], $0x8000, $0x38;
	[tilespmem:$0x18080] =	vst v63  }
0xdf: {  	_ =	swait.ge [sflag:s19], $0x8000  }
0xe0: {  	[sflag:s19] =	ssyncset.done $0x0  }
0xe1: {  	s20 =	simm.s32 $0x6;
	[sflag:s19] =	ssyncadd.s32 $0xFFFF8000  }
0xe2: {  	p0 =	sne.s32 s12, $0x1;
	_ =	swait.ge [sflag:s20], $0x8000  }
.Ltmp0:
0xe3: {  	[sflag:s20] =	ssyncset.done $0x0;
	(pc) =	sbr.rel @p0 .LBB2_1-.Ltmp0, $4  }
0xe4: {  	[sflag:s20] =	ssyncadd.s32 $0xFFFF8000  }
0xe5: {  	_ =	swait.ge [sflag:s4], $0x8000  }
0xe6: {  	[sflag:s4] =	ssyncset.done $0x0  }
0xe7: {  	s12 =	sadd.s32 $0xFFFFFFFF, s12;
	[sflag:s4] =	ssyncadd.s32 $0xFFFF8000  }
0xe8: {  	_ =	sfence.sel $0x180000  }
0xe9: {  	[bflag:$0x0] =	sbarrier.arrive $0xFFFF  }
0xea: {  	_ =	strace $0x90000047  }
0xeb: {  	s0 =	stileid.u32;
	[bflag:$0x2] =	sbarrier.arrive $0xFFFF  }
0xec: {  	p0 =	sne.s32 s0, $0x0;
	s0 =	rddreg [dreg:$0x3]  }
0xed: {  	s0 =	sadd.s32 @!p0 $0x100000, s0  }
0xee: {  	[sflag:s0] =	ssyncadd.tile.s32 @!p0 $0x1;
	_ =	shalt  }
.Lfunc_end2:
_tile_overlayer_lowered:
.L_overlay_start_2:
0xef: {  	(tag) =	ssettag $0x2  }
0xf0: {  	s0 =	rddreg [dreg:$0x0];
	s2 =	stileid.u32  }
0xf1: {  	s1 =	rddreg [dreg:$0x1];
	p0 =	sne.s32 s2, $0x0  }
0xf2: {  	s3 =	rddreg [dreg:$0x2];
	[bflag:$0x3] =	sbarrier.arrive $0xFFFF;
	s2 =	simm.s32 @!p0 $0x1C07  }
0xf3: {  	[timem:s3], [sflag:s2] =	dma.local @!p0 [hbm:s0], s1  }
0xf4: {  	s0 =	simm.s32 @!p0 $0x7  }
0xf5: {  	_ =	swait.ge @!p0 [sflag:s0], s1  }
0xf6: {  	s1 =	ssub.s32 @!p0 $0x0, s1;
	[sflag:s0] =	ssyncset.done @!p0 $0x0  }
0xf7: {  	[sflag:s0] =	ssyncadd.s32 @!p0 s1  }
0xf8: {  	[bflag:$0x3] =	sbarrier.arrive $0xFFFF  }
0xf9: {  	_ =	shalt  }

</sc_bundles>
